<compile_context>
chip_gen: v7x
topology: tpu7x:2x2x1
jax: 0.10.2.dev20260603
libtpu: 0.0.44.dev20260713+nightly
codegen_flags: <defaults>
</compile_context>

<pallas_src>
import jax
import jax.numpy as jnp
import numpy as np
from jax.experimental import pallas as pl
from jax.experimental.pallas import tpu as pltpu

_N = 1000000
_CH = 8192
_STEPS = 123
_NP = _CH * _STEPS
_LOG2PI = float(np.log(2.0 * np.pi))


def _pf_kernel(yT_ref, A_ref, C_ref, sc_ref, xres_ref, noise_ref, bias_ref, out_ref,
               m_ref, S_ref, V_ref, M2_ref):
    i = pl.program_id(0)

    @pl.when(i == 0)
    def _init():
        m_ref[0, 0] = -1e30
        S_ref[0, 0] = 0.0
        V_ref[...] = jnp.zeros_like(V_ref)
        M2_ref[...] = jnp.zeros_like(M2_ref)

    proc_ls = sc_ref[0, 0]
    obs_ls = sc_ref[0, 1]

    x = xres_ref[...]
    nz = noise_ref[...]
    xT = jnp.dot(A_ref[...], x, preferred_element_type=jnp.float32)
    xT = xT + nz * jnp.exp(proc_ls)

    ym = jnp.dot(C_ref[...], xT, preferred_element_type=jnp.float32)
    s = jnp.exp(obs_ls)
    d = (yT_ref[...] - ym) / s
    lp = jnp.sum(-0.5 * d * d, axis=0, keepdims=True) \
        - 4.0 * obs_ls - 2.0 * _LOG2PI + bias_ref[...]

    m_old = m_ref[0, 0]
    m_new = jnp.maximum(m_old, jnp.max(lp))
    scale = jnp.exp(m_old - m_new)
    p = jnp.exp(lp - m_new)

    S_ref[0, 0] = S_ref[0, 0] * scale + jnp.sum(p)
    V_ref[...] = V_ref[...] * scale + jnp.sum(xT * p, axis=1, keepdims=True)
    xTp = xT * p
    M2_ref[...] = M2_ref[...] * scale + jnp.dot(
        xTp, xT.T, preferred_element_type=jnp.float32)
    m_ref[0, 0] = m_new

    @pl.when(i == _STEPS - 1)
    def _finish():
        Sv = S_ref[0, 0]
        mu = V_ref[...] / Sv
        cov = M2_ref[...] / Sv - jnp.dot(mu, mu.T,
                                         preferred_element_type=jnp.float32)
        out_ref[...] = jnp.concatenate([mu, cov], axis=1)


def kernel(x_Tm1, log_w, y_T, noise, u, A, C, proc_log_scale, obs_log_scale):
    w = jax.nn.softmax(log_w[:, 0])
    cumw = jnp.cumsum(w)
    anc = jnp.clip(jnp.searchsorted(cumw, u), 0, _N - 1)
    pad = _NP - _N
    x_res = jnp.take(x_Tm1, anc, axis=0).T
    x_res = jnp.pad(x_res, ((0, 0), (0, pad)))
    noise_t = jnp.pad(noise.T, ((0, 0), (0, pad)))
    bias = jnp.concatenate([jnp.zeros((1, _N), jnp.float32),
                            jnp.full((1, pad), -1e30, jnp.float32)], axis=1)
    sc = jnp.stack([proc_log_scale, obs_log_scale]).reshape(1, 2)

    out89 = pl.pallas_call(
        _pf_kernel,
        grid=(_STEPS,),
        in_specs=[
            pl.BlockSpec((4, 1), lambda i: (0, 0)),
            pl.BlockSpec((8, 8), lambda i: (0, 0)),
            pl.BlockSpec((4, 8), lambda i: (0, 0)),
            pl.BlockSpec((1, 2), lambda i: (0, 0)),
            pl.BlockSpec((8, _CH), lambda i: (0, i)),
            pl.BlockSpec((8, _CH), lambda i: (0, i)),
            pl.BlockSpec((1, _CH), lambda i: (0, i)),
        ],
        out_specs=pl.BlockSpec((8, 9), lambda i: (0, 0)),
        out_shape=jax.ShapeDtypeStruct((8, 9), jnp.float32),
        scratch_shapes=[
            pltpu.SMEM((1, 1), jnp.float32),
            pltpu.SMEM((1, 1), jnp.float32),
            pltpu.VMEM((8, 1), jnp.float32),
            pltpu.VMEM((8, 8), jnp.float32),
        ],
    )(y_T.reshape(4, 1), A, C, sc, x_res, noise_t, bias)

    mu = out89[:, 0]
    cov = out89[:, 1:]
    return jnp.concatenate([mu, cov.reshape(-1)])

# --- scband reference (transcript-rebuilt; emitter-appended) ---
"""Pipeline reference for scband-bootstrap-particle-filter-28174985462213 (READ-ONLY COPY).

The authoritative reference and input builder live on the scoring server;
editing this copy changes nothing except your own understanding.
"""

import jax, jax.numpy as jnp
import numpy as np

N = 1000000
XDIM = 8
YDIM = 4

def setup_inputs(seed: int = 0) -> dict:
    key = jax.random.key(seed)
    k1, k2, k3, k4, k5, k6, k7 = jax.random.split(key, 7)
    x_Tm1 = jax.random.normal(k1, (N, XDIM), dtype=jnp.float32)
    log_w = jax.random.normal(k2, (N, 1), dtype=jnp.float32)
    y_T = jax.random.normal(k3, (YDIM,), dtype=jnp.float32)
    noise = jax.random.normal(k4, (N, XDIM), dtype=jnp.float32)
    u = jax.random.uniform(k5, (N,), dtype=jnp.float32)
    # learned / model parameters (linear-Gaussian transition F and emission G)
    A = jax.random.normal(k6, (XDIM, XDIM), dtype=jnp.float32) * (0.9 / np.sqrt(XDIM))
    C = jax.random.normal(k7, (YDIM, XDIM), dtype=jnp.float32) * (1.0 / np.sqrt(XDIM))
    proc_log_scale = jnp.asarray(-1.0, dtype=jnp.float32)
    obs_log_scale = jnp.asarray(-0.5, dtype=jnp.float32)
    return {"x_Tm1": x_Tm1, "log_w": log_w, "y_T": y_T, "noise": noise, "u": u,
            "A": A, "C": C, "proc_log_scale": proc_log_scale, "obs_log_scale": obs_log_scale}

def reference(x_Tm1, log_w, y_T, noise, u, A, C, proc_log_scale, obs_log_scale):
    # --- resample() : multinomial resampling via inverse-CDF (searchsorted) ---
    w = jax.nn.softmax(log_w[:, 0])
    cumw = jnp.cumsum(w)
    ancestors = jnp.clip(jnp.searchsorted(cumw, u), 0, N - 1)
    x_res = jnp.take(x_Tm1, ancestors, axis=0)
    # --- sample_q_T : propagate through linear-Gaussian transition F_fn ---
    x_T = x_res @ A.T + noise * jnp.exp(proc_log_scale)
    # --- compute_log_p_t : Gaussian emission log-likelihood G_fn ---
    y_mean = x_T @ C.T
    s = jnp.exp(obs_log_scale)
    log_p_y_t = jnp.sum(-0.5 * ((y_T[None, :] - y_mean) / s) ** 2
                        - obs_log_scale - 0.5 * jnp.log(2.0 * jnp.pi),
                        axis=1, keepdims=True)
    # --- update : weights reset after resampling, then += log p(y|x) ---
    log_w_new = jnp.log(1.0 / N) + log_p_y_t
    # --- return_summary_stats : weighted mean and covariance ---
    nw = jax.nn.softmax(log_w_new, axis=0)
    x_mean = jnp.sum(x_T * nw, axis=0)
    xc = x_T - x_mean[None, :]
    x_cov = (xc * nw).T @ xc
    out = jnp.concatenate([x_mean, x_cov.reshape(-1)])
    return out

if __name__ == "__main__":
    import jax
    _d = setup_inputs()
    print(jax.jit(kernel)(*tuple(_d.values())))

</pallas_src>

<mosaic_0001>
module attributes {stable_mosaic.version = 14 : i64} {
  func.func @_pf_kernel(%arg0: i32, %arg1: memref<4x1xf32, #tpu.memory_space<vmem>>, %arg2: memref<8x8xf32, #tpu.memory_space<vmem>>, %arg3: memref<4x8xf32, #tpu.memory_space<vmem>>, %arg4: memref<1x2xf32, #tpu.memory_space<vmem>>, %arg5: memref<8x8192xf32, #tpu.memory_space<vmem>>, %arg6: memref<8x8192xf32, #tpu.memory_space<vmem>>, %arg7: memref<1x8192xf32, #tpu.memory_space<vmem>>, %arg8: memref<8x9xf32, #tpu.memory_space<vmem>>, %arg9: memref<1x1xf32, #tpu.memory_space<smem>>, %arg10: memref<1x1xf32, #tpu.memory_space<smem>>, %arg11: memref<8x1xf32, #tpu.memory_space<vmem>>, %arg12: memref<8x8xf32, #tpu.memory_space<vmem>>) attributes {dimension_semantics = [#tpu.dimension_semantics<arbitrary>], iteration_bounds = array<i64: 123>, scalar_prefetch = 0 : i64, scratch_operands = 4 : i64, tpu.core_type = #tpu.core_type<tc>, window_params = [{pipeline_mode = #tpu.pipeline_mode<synchronous>, transform_indices = @transform_0, window_bounds = array<i64: 4, 1>}, {pipeline_mode = #tpu.pipeline_mode<synchronous>, transform_indices = @transform_1, window_bounds = array<i64: 8, 8>}, {pipeline_mode = #tpu.pipeline_mode<synchronous>, transform_indices = @transform_2, window_bounds = array<i64: 4, 8>}, {pipeline_mode = #tpu.pipeline_mode<synchronous>, transform_indices = @transform_3, window_bounds = array<i64: 1, 2>}, {transform_indices = @transform_4, window_bounds = array<i64: 8, 8192>}, {transform_indices = @transform_5, window_bounds = array<i64: 8, 8192>}, {transform_indices = @transform_6, window_bounds = array<i64: 1, 8192>}, {pipeline_mode = #tpu.pipeline_mode<synchronous>, transform_indices = @transform_7, window_bounds = array<i64: 8, 9>}]} {
    %eq3A = arith.constant 0 : i32
    %eq3A_0 = arith.cmpi eq, %arg0, %eq3A : i32
    %convert_element_type3A = arith.extui %eq3A_0 : i1 to i32
    %cond3A = arith.constant 0 : i32
    %cond3A_1 = arith.cmpi ne, %convert_element_type3A, %cond3A : i32
    scf.if %cond3A_1 {
      %swap3A_106 = arith.constant -1.000000e+30 : f32
      %swap3A_107 = arith.constant 0 : index
      %swap3A_108 = arith.constant 0 : index
      %swap3A_109 = memref.load %arg9[%swap3A_107, %swap3A_108] : memref<1x1xf32, #tpu.memory_space<smem>>
      memref.store %swap3A_106, %arg9[%swap3A_107, %swap3A_108] : memref<1x1xf32, #tpu.memory_space<smem>>
      %swap3A_110 = arith.constant 0.000000e+00 : f32
      %swap3A_111 = arith.constant 0 : index
      %swap3A_112 = arith.constant 0 : index
      %swap3A_113 = memref.load %arg10[%swap3A_111, %swap3A_112] : memref<1x1xf32, #tpu.memory_space<smem>>
      memref.store %swap3A_110, %arg10[%swap3A_111, %swap3A_112] : memref<1x1xf32, #tpu.memory_space<smem>>
      %broadcast_in_dim3A_114 = arith.constant 0.000000e+00 : f32
      %broadcast_in_dim3A_115 = vector.broadcast %broadcast_in_dim3A_114 : f32 to vector<8x1xf32>
      %swap3A_116 = arith.constant 0 : index
      %swap3A_117 = arith.constant 0 : index
      %swap3A_118 = vector.load %arg11[%swap3A_116, %swap3A_117] : memref<8x1xf32, #tpu.memory_space<vmem>>, vector<8x1xf32>
      tpu.vector_store %arg11[%swap3A_116, %swap3A_117], %broadcast_in_dim3A_115 {strides = array<i32>} : memref<8x1xf32, #tpu.memory_space<vmem>>, vector<8x1xf32>,
      %broadcast_in_dim3A_119 = arith.constant 0.000000e+00 : f32
      %broadcast_in_dim3A_120 = vector.broadcast %broadcast_in_dim3A_119 : f32 to vector<8x8xf32>
      %swap3A_121 = arith.constant 0 : index
      %swap3A_122 = arith.constant 0 : index
      %swap3A_123 = vector.load %arg12[%swap3A_121, %swap3A_122] : memref<8x8xf32, #tpu.memory_space<vmem>>, vector<8x8xf32>
      tpu.vector_store %arg12[%swap3A_121, %swap3A_122], %broadcast_in_dim3A_120 {strides = array<i32>} : memref<8x8xf32, #tpu.memory_space<vmem>>, vector<8x8xf32>,
    } else {
    }
    %get3A = arith.constant 0 : index
    %get3A_2 = arith.constant 0 : index
    %get3A_3 = vector.load %arg4[%get3A, %get3A_2] : memref<1x2xf32, #tpu.memory_space<vmem>>, vector<1x1xf32>
    %get3A_4 = vector.extract %get3A_3[0, 0] : f32 from vector<1x1xf32>
    %get3A_5 = arith.constant 0 : index
    %get3A_6 = arith.constant 1 : index
    %get3A_7 = vector.load %arg4[%get3A_5, %get3A_6] : memref<1x2xf32, #tpu.memory_space<vmem>>, vector<1x1xf32>
    %get3A_8 = vector.extract %get3A_7[0, 0] : f32 from vector<1x1xf32>
    %get3A_9 = arith.constant 0 : index
    %get3A_10 = arith.constant 0 : index
    %get3A_11 = vector.load %arg5[%get3A_9, %get3A_10] : memref<8x8192xf32, #tpu.memory_space<vmem>>, vector<8x8192xf32>
    %get3A_12 = arith.constant 0 : index
    %get3A_13 = arith.constant 0 : index
    %get3A_14 = vector.load %arg6[%get3A_12, %get3A_13] : memref<8x8192xf32, #tpu.memory_space<vmem>>, vector<8x8192xf32>
    %get3A_15 = arith.constant 0 : index
    %get3A_16 = arith.constant 0 : index
    %get3A_17 = vector.load %arg2[%get3A_15, %get3A_16] : memref<8x8xf32, #tpu.memory_space<vmem>>, vector<8x8xf32>
    %dot_general3A = arith.constant dense<0.000000e+00> : vector<8x8192xf32>
    %dot_general3A_18 = tpu.matmul %get3A_17, %get3A_11, %dot_general3A {dimension_numbers = #tpu.dot_dimension_numbers<[1], [0], [0], [1], [0, 0, 1, 1], [], []>, transpose_lhs_hint = false} : vector<8x8xf32>, vector<8x8192xf32>, vector<8x8192xf32> -> vector<8x8192xf32>
    %exp3A = math.exp %get3A_4 : f32
    %mul3A = vector.broadcast %exp3A : f32 to vector<8x8192xf32>
    %mul3A_19 = arith.mulf %get3A_14, %mul3A : vector<8x8192xf32>
    %add3A = arith.addf %dot_general3A_18, %mul3A_19 : vector<8x8192xf32>
    %get3A_20 = arith.constant 0 : index
    %get3A_21 = arith.constant 0 : index
    %get3A_22 = vector.load %arg3[%get3A_20, %get3A_21] : memref<4x8xf32, #tpu.memory_space<vmem>>, vector<4x8xf32>
    %dot_general3A_23 = arith.constant dense<0.000000e+00> : vector<4x8192xf32>
    %dot_general3A_24 = tpu.matmul %get3A_22, %add3A, %dot_general3A_23 {dimension_numbers = #tpu.dot_dimension_numbers<[1], [0], [0], [1], [0, 0, 1, 1], [], []>, transpose_lhs_hint = false} : vector<4x8xf32>, vector<8x8192xf32>, vector<4x8192xf32> -> vector<4x8192xf32>
    %exp3A_25 = math.exp %get3A_8 : f32
    %get3A_26 = arith.constant 0 : index
    %get3A_27 = arith.constant 0 : index
    %get3A_28 = vector.load %arg1[%get3A_26, %get3A_27] : memref<4x1xf32, #tpu.memory_space<vmem>>, vector<4x1xf32>
    %sub3A = vector.broadcast %get3A_28 : vector<4x1xf32> to vector<4x8192xf32>
    %sub3A_29 = arith.subf %sub3A, %dot_general3A_24 : vector<4x8192xf32>
    %div3A = vector.broadcast %exp3A_25 : f32 to vector<4x8192xf32>
    %div3A_30 = arith.divf %sub3A_29, %div3A : vector<4x8192xf32>
    %mul3A_31 = arith.constant -5.000000e-01 : f32
    %mul3A_32 = vector.broadcast %mul3A_31 : f32 to vector<4x8192xf32>
    %mul3A_33 = arith.mulf %mul3A_32, %div3A_30 : vector<4x8192xf32>
    %mul3A_34 = arith.mulf %mul3A_33, %div3A_30 : vector<4x8192xf32>
    %reduce_sum3A = arith.constant dense<0.000000e+00> : vector<8192xf32>
    %reduce_sum3A_35 = vector.multi_reduction <add>, %mul3A_34, %reduce_sum3A [0] : vector<4x8192xf32> to vector<8192xf32>
    %broadcast_in_dim3A = vector.shape_cast %reduce_sum3A_35 : vector<8192xf32> to vector<1x8192xf32>
    %mul3A_36 = arith.constant 4.000000e+00 : f32
    %mul3A_37 = arith.mulf %mul3A_36, %get3A_8 : f32
    %sub3A_38 = vector.broadcast %mul3A_37 : f32 to vector<1x8192xf32>
    %sub3A_39 = arith.subf %broadcast_in_dim3A, %sub3A_38 : vector<1x8192xf32>
    %sub3A_40 = arith.constant 3.67575407 : f32
    %sub3A_41 = vector.broadcast %sub3A_40 : f32 to vector<1x8192xf32>
    %sub3A_42 = arith.subf %sub3A_39, %sub3A_41 : vector<1x8192xf32>
    %get3A_43 = arith.constant 0 : index
    %get3A_44 = arith.constant 0 : index
    %get3A_45 = vector.load %arg7[%get3A_43, %get3A_44] : memref<1x8192xf32, #tpu.memory_space<vmem>>, vector<1x8192xf32>
    %add3A_46 = arith.addf %sub3A_42, %get3A_45 : vector<1x8192xf32>
    %get3A_47 = arith.constant 0 : index
    %get3A_48 = arith.constant 0 : index
    %get3A_49 = memref.load %arg9[%get3A_47, %get3A_48] : memref<1x1xf32, #tpu.memory_space<smem>>
    %reduce_max3A = vector.shape_cast %add3A_46 : vector<1x8192xf32> to vector<1x1x8192xf32>
    %reduce_max3A_50 = arith.constant dense<0xFF800000> : vector<1xf32>
    %reduce_max3A_51 = vector.multi_reduction <maximumf>, %reduce_max3A, %reduce_max3A_50 [1, 2] : vector<1x1x8192xf32> to vector<1xf32>
    %reduce_max3A_52 = vector.shape_cast %reduce_max3A_51 : vector<1xf32> to vector<1x1x1xf32>
    %reduce_max3A_53 = vector.extract %reduce_max3A_52[0, 0, 0] : f32 from vector<1x1x1xf32>
    %max3A = arith.maximumf %get3A_49, %reduce_max3A_53 : f32
    %sub3A_54 = arith.subf %get3A_49, %max3A : f32
    %exp3A_55 = math.exp %sub3A_54 : f32
    %sub3A_56 = vector.broadcast %max3A : f32 to vector<1x8192xf32>
    %sub3A_57 = arith.subf %add3A_46, %sub3A_56 : vector<1x8192xf32>
    %exp3A_58 = math.exp %sub3A_57 : vector<1x8192xf32>
    %get3A_59 = arith.constant 0 : index
    %get3A_60 = arith.constant 0 : index
    %get3A_61 = memref.load %arg10[%get3A_59, %get3A_60] : memref<1x1xf32, #tpu.memory_space<smem>>
    %mul3A_62 = arith.mulf %get3A_61, %exp3A_55 : f32
    %reduce_sum3A_63 = vector.shape_cast %exp3A_58 : vector<1x8192xf32> to vector<1x1x8192xf32>
    %reduce_sum3A_64 = arith.constant dense<0.000000e+00> : vector<1xf32>
    %reduce_sum3A_65 = vector.multi_reduction <add>, %reduce_sum3A_63, %reduce_sum3A_64 [1, 2] : vector<1x1x8192xf32> to vector<1xf32>
    %reduce_sum3A_66 = vector.shape_cast %reduce_sum3A_65 : vector<1xf32> to vector<1x1x1xf32>
    %reduce_sum3A_67 = vector.extract %reduce_sum3A_66[0, 0, 0] : f32 from vector<1x1x1xf32>
    %add3A_68 = arith.addf %mul3A_62, %reduce_sum3A_67 : f32
    %swap3A = arith.constant 0 : index
    %swap3A_69 = arith.constant 0 : index
    %swap3A_70 = memref.load %arg10[%swap3A, %swap3A_69] : memref<1x1xf32, #tpu.memory_space<smem>>
    memref.store %add3A_68, %arg10[%swap3A, %swap3A_69] : memref<1x1xf32, #tpu.memory_space<smem>>
    %get3A_71 = arith.constant 0 : index
    %get3A_72 = arith.constant 0 : index
    %get3A_73 = vector.load %arg11[%get3A_71, %get3A_72] : memref<8x1xf32, #tpu.memory_space<vmem>>, vector<8x1xf32>
    %mul3A_74 = vector.broadcast %exp3A_55 : f32 to vector<8x1xf32>
    %mul3A_75 = arith.mulf %get3A_73, %mul3A_74 : vector<8x1xf32>
    %mul3A_76 = vector.broadcast %exp3A_58 : vector<1x8192xf32> to vector<8x8192xf32>
    %mul3A_77 = arith.mulf %add3A, %mul3A_76 : vector<8x8192xf32>
    %reduce_sum3A_78 = arith.constant dense<0.000000e+00> : vector<8xf32>
    %reduce_sum3A_79 = vector.multi_reduction <add>, %mul3A_77, %reduce_sum3A_78 [1] : vector<8x8192xf32> to vector<8xf32>
    %broadcast_in_dim3A_80 = vector.shape_cast %reduce_sum3A_79 : vector<8xf32> to vector<8x1xf32>
    %add3A_81 = arith.addf %mul3A_75, %broadcast_in_dim3A_80 : vector<8x1xf32>
    %swap3A_82 = arith.constant 0 : index
    %swap3A_83 = arith.constant 0 : index
    %swap3A_84 = vector.load %arg11[%swap3A_82, %swap3A_83] : memref<8x1xf32, #tpu.memory_space<vmem>>, vector<8x1xf32>
    tpu.vector_store %arg11[%swap3A_82, %swap3A_83], %add3A_81 {strides = array<i32>} : memref<8x1xf32, #tpu.memory_space<vmem>>, vector<8x1xf32>,
    %mul3A_85 = vector.broadcast %exp3A_58 : vector<1x8192xf32> to vector<8x8192xf32>
    %mul3A_86 = arith.mulf %add3A, %mul3A_85 : vector<8x8192xf32>
    %get3A_87 = arith.constant 0 : index
    %get3A_88 = arith.constant 0 : index
    %get3A_89 = vector.load %arg12[%get3A_87, %get3A_88] : memref<8x8xf32, #tpu.memory_space<vmem>>, vector<8x8xf32>
    %mul3A_90 = vector.broadcast %exp3A_55 : f32 to vector<8x8xf32>
    %mul3A_91 = arith.mulf %get3A_89, %mul3A_90 : vector<8x8xf32>
    %transpose3A = tpu.transpose %add3A, [1, 0] : vector<8x8192xf32> -> vector<8192x8xf32>
    %dot_general3A_92 = arith.constant dense<0.000000e+00> : vector<8x8xf32>
    %dot_general3A_93 = tpu.matmul %mul3A_86, %transpose3A, %dot_general3A_92 {dimension_numbers = #tpu.dot_dimension_numbers<[1], [0], [0], [1], [0, 0, 1, 1], [], []>, transpose_lhs_hint = false} : vector<8x8192xf32>, vector<8192x8xf32>, vector<8x8xf32> -> vector<8x8xf32>
    %add3A_94 = arith.addf %mul3A_91, %dot_general3A_93 : vector<8x8xf32>
    %swap3A_95 = arith.constant 0 : index
    %swap3A_96 = arith.constant 0 : index
    %swap3A_97 = vector.load %arg12[%swap3A_95, %swap3A_96] : memref<8x8xf32, #tpu.memory_space<vmem>>, vector<8x8xf32>
    tpu.vector_store %arg12[%swap3A_95, %swap3A_96], %add3A_94 {strides = array<i32>} : memref<8x8xf32, #tpu.memory_space<vmem>>, vector<8x8xf32>,
    %swap3A_98 = arith.constant 0 : index
    %swap3A_99 = arith.constant 0 : index
    %swap3A_100 = memref.load %arg9[%swap3A_98, %swap3A_99] : memref<1x1xf32, #tpu.memory_space<smem>>
    memref.store %max3A, %arg9[%swap3A_98, %swap3A_99] : memref<1x1xf32, #tpu.memory_space<smem>>
    %eq3A_101 = arith.constant 122 : i32
    %eq3A_102 = arith.cmpi eq, %arg0, %eq3A_101 : i32
    %convert_element_type3A_103 = arith.extui %eq3A_102 : i1 to i32
    %cond3A_104 = arith.constant 0 : i32
    %cond3A_105 = arith.cmpi ne, %convert_element_type3A_103, %cond3A_104 : i32
    scf.if %cond3A_105 {
      %get3A_106 = arith.constant 0 : index
      %get3A_107 = arith.constant 0 : index
      %get3A_108 = memref.load %arg10[%get3A_106, %get3A_107] : memref<1x1xf32, #tpu.memory_space<smem>>
      %get3A_109 = arith.constant 0 : index
      %get3A_110 = arith.constant 0 : index
      %get3A_111 = vector.load %arg11[%get3A_109, %get3A_110] : memref<8x1xf32, #tpu.memory_space<vmem>>, vector<8x1xf32>
      %div3A_112 = vector.broadcast %get3A_108 : f32 to vector<8x1xf32>
      %div3A_113 = arith.divf %get3A_111, %div3A_112 : vector<8x1xf32>
      %get3A_114 = arith.constant 0 : index
      %get3A_115 = arith.constant 0 : index
      %get3A_116 = vector.load %arg12[%get3A_114, %get3A_115] : memref<8x8xf32, #tpu.memory_space<vmem>>, vector<8x8xf32>
      %div3A_117 = vector.broadcast %get3A_108 : f32 to vector<8x8xf32>
      %div3A_118 = arith.divf %get3A_116, %div3A_117 : vector<8x8xf32>
      %transpose3A_119 = tpu.transpose %div3A_113, [1, 0] : vector<8x1xf32> -> vector<1x8xf32>
      %dot_general3A_120 = arith.constant dense<0.000000e+00> : vector<8x8xf32>
      %dot_general3A_121 = tpu.matmul %div3A_113, %transpose3A_119, %dot_general3A_120 {dimension_numbers = #tpu.dot_dimension_numbers<[1], [0], [0], [1], [0, 0, 1, 1], [], []>, transpose_lhs_hint = false} : vector<8x1xf32>, vector<1x8xf32>, vector<8x8xf32> -> vector<8x8xf32>
      %sub3A_122 = arith.subf %div3A_118, %dot_general3A_121 : vector<8x8xf32>
      %concatenate3A = tpu.concatenate %div3A_113, %sub3A_122 in 1 : vector<8x1xf32>, vector<8x8xf32> -> vector<8x9xf32>
      %swap3A_123 = arith.constant 0 : index
      %swap3A_124 = arith.constant 0 : index
      %swap3A_125 = vector.load %arg8[%swap3A_123, %swap3A_124] : memref<8x9xf32, #tpu.memory_space<vmem>>, vector<8x9xf32>
      tpu.vector_store %arg8[%swap3A_123, %swap3A_124], %concatenate3A {strides = array<i32>} : memref<8x9xf32, #tpu.memory_space<vmem>>, vector<8x9xf32>,
    } else {
    }
    return
  }
  func.func @transform_0(%arg0: i32) -> (i32, i32) {
    %c0_i32 = arith.constant 0 : i32
    %c0_i32_0 = arith.constant 0 : i32
    %c0_i32_1 = arith.constant 0 : i32
    return %c0_i32, %c0_i32_0 : i32, i32
  }
  func.func @transform_1(%arg0: i32) -> (i32, i32) {
    %c0_i32 = arith.constant 0 : i32
    %c0_i32_0 = arith.constant 0 : i32
    %c0_i32_1 = arith.constant 0 : i32
    return %c0_i32, %c0_i32_0 : i32, i32
  }
  func.func @transform_2(%arg0: i32) -> (i32, i32) {
    %c0_i32 = arith.constant 0 : i32
    %c0_i32_0 = arith.constant 0 : i32
    %c0_i32_1 = arith.constant 0 : i32
    return %c0_i32, %c0_i32_0 : i32, i32
  }
  func.func @transform_3(%arg0: i32) -> (i32, i32) {
    %c0_i32 = arith.constant 0 : i32
    %c0_i32_0 = arith.constant 0 : i32
    %c0_i32_1 = arith.constant 0 : i32
    return %c0_i32, %c0_i32_0 : i32, i32
  }
  func.func @transform_4(%arg0: i32) -> (i32, i32) {
    %c0_i32 = arith.constant 0 : i32
    %c0_i32_0 = arith.constant 0 : i32
    return %c0_i32, %arg0 : i32, i32
  }
  func.func @transform_5(%arg0: i32) -> (i32, i32) {
    %c0_i32 = arith.constant 0 : i32
    %c0_i32_0 = arith.constant 0 : i32
    return %c0_i32, %arg0 : i32, i32
  }
  func.func @transform_6(%arg0: i32) -> (i32, i32) {
    %c0_i32 = arith.constant 0 : i32
    %c0_i32_0 = arith.constant 0 : i32
    return %c0_i32, %arg0 : i32, i32
  }
  func.func @transform_7(%arg0: i32) -> (i32, i32) {
    %c0_i32 = arith.constant 0 : i32
    %c0_i32_0 = arith.constant 0 : i32
    %c0_i32_1 = arith.constant 0 : i32
    return %c0_i32, %c0_i32_0 : i32, i32
  }
}

</mosaic_0001>

<sc_bundles>
// kernel: gather_offload_async_start.1
scs
__scs_entry_jumppad:
0x0: {  	(pc) =	sbr.rel $0x88, $3  }
0x1: {  	(tag) =	ssettag $0x0;
	lr =	simm.s32 $0x1  }
0x2: {  	[smem:$0x3F98] =	sst lr;
	_ =	strace $0xD0000000  }
0x3: {  	_ = 	snop  }
0x4: {  	_ = 	snop  }
0x5: {  	_ = 	snop  }
0x6: {  	_ = 	snop  }
0x7: {  	_ = 	snop  }
__scs_overlays_trampoline_lowered:
0x8: {  	[smem:$0x3FA7] =	sst s0  }
0x9: {  	[smem:$0x3FA8] =	sst s1  }
0xa: {  	[smem:$0x3FA9] =	sst s2  }
0xb: {  	[smem:$0x3FAA] =	sst s3  }
0xc: {  	[smem:$0x3FAB] =	sst s4  }
0xd: {  	[smem:$0x3FAC] =	sst s5  }
0xe: {  	[smem:$0x3FAD] =	sst s6  }
0xf: {  	[smem:$0x3FAE] =	sst s7  }
0x10: {  	[smem:$0x3FAF] =	sst s8  }
0x11: {  	[smem:$0x3FB0] =	sst s9;
	s0 =	simm.s32 @!p0 $0x0  }
0x12: {  	s1 =	sld [smem:$0x3F96];
	s0 =	simm.s32 @p0 $0x1  }
0x13: {  	[smem:$0x3FB1] =	sst s0;
	s0 =	simm.s32 @!p1 $0x0  }
0x14: {  	s2 =	sld [smem:$0x3F95];
	s0 =	simm.s32 @p1 $0x1  }
0x15: {  	[smem:$0x3FB2] =	sst s0;
	s0 =	simm.s32 @!p2 $0x0  }
0x16: {  	s3 =	sld [smem:$0x3FDB];
	s0 =	simm.s32 @p2 $0x1  }
0x17: {  	s4 =	simm.s32 $0x1BF5;
	[smem:$0x3FB4] =	sst s0  }
0x18: {  	s0 =	sld [smem:$0x3F97];
	_ =	swait.ge [sflag:s4], $0x0  }
0x19: {  	s7 =	sld [smem:$0x3F98]  }
0x1a: {  	s8 =	sadd.s32 $0xFFFFE003, lr  }
0x1b: {  	s9 =	sadd.s32 $0xFFFFFEF7, lr;
	s5 =	simm.s32 $0xFFFFFFFF;
	p2 =	slt.u32 s8, $0xFFFFF086  }
0x1c: {  	p1 =	slt.u32 s9, $0xF7A;
	s5 =	simm.s32 @!p2 $0x0  }
0x1d: {  	s5 =	simm.s32 @p1 $0x1;
	p0 =	seq.s32 s7, s2  }
0x1e: {  	s7 =	smul.u32 @!p0 $0xF7A, s2;
	p2 =	seq.s32 @!p0 s5, $0x0  }
0x1f: {  	s9 =	smul.u32 $0xF7A, s1;
	s8 =	simm.s32 @!p0 $0x1BF5;
	p2 =	por !p2, p0  }
0x20: {  	[sflag:s8] =	ssyncset.s32 @!p0 $0xFFFFF086;
	s6 =	sadd.s32 @!p0 s3, s7;
	s7 =	simm.s32 @!p0 $0x108  }
0x21: {  	s3 =	sadd.s32 s3, s9;
	s6 =	sadd.s32 @!p0 $0x88, s6;
	s7 =	simm.s32 @p2 $0x1082  }
0x22: {  	[simem:s7], [sflag:s8] =	dma.local @!p0 [hbm:s6], $0xF7A  }
0x23: {  	s9 =	sor.u32 $0xD0000000, s2;
	s6 =	simm.s32 $0x108;
	_ =	swait.ge @!p0 [sflag:s8], $0x0  }
0x24: {  	s3 =	sadd.s32 $0x88, s3;
	s6 =	simm.s32 @!p1 $0x1082;
	[sflag:s4] =	ssyncset.s32 $0xFFFFF086  }
0x25: {  	[simem:s6], [sflag:s4] =	dma.local [hbm:s3], $0xF7A  }
0x26: {  	[smem:$0x3F98] =	sst s1;
	(tag) =	ssettag s2;
	_ =	strace s9  }
0x27: {  	s1 =	sld [smem:$0x3FA8]  }
0x28: {  	s2 =	sld [smem:$0x3FA9]  }
0x29: {  	s4 =	sld [smem:$0x3FAB]  }
0x2a: {  	p0 =	seq.s32 s5, $0x0;
	s5 =	sld [smem:$0x3FAC]  }
0x2b: {  	s6 =	sld [smem:$0x3FAD]  }
0x2c: {  	s7 =	sld [smem:$0x3FAE]  }
0x2d: {  	s3 =	simm.s32 $0x108;
	s8 =	sld [smem:$0x3FAF]  }
0x2e: {  	s3 =	simm.s32 @!p0 $0x1082;
	s9 =	sld [smem:$0x3FB0]  }
0x2f: {  	lr =	sadd.s32 s0, s3;
	s0 =	sld [smem:$0x3FA7]  }
0x30: {  	s3 =	sld [smem:$0x3FAA]  }
0x31: {  	[smem:$0x3FB3] =	sst s10  }
0x32: {  	s10 =	sld [smem:$0x3FB1];
	_ =	sdelay $0x3  }
0x33: {  	p0 =	seq.s32 s10, $0x1;
	s10 =	sld [smem:$0x3FB3];
	_ =	sdelay $0x3  }
0x34: {  	[smem:$0x3FB3] =	sst s10  }
0x35: {  	s10 =	sld [smem:$0x3FB2];
	_ =	sdelay $0x3  }
0x36: {  	p1 =	seq.s32 s10, $0x1;
	s10 =	sld [smem:$0x3FB3];
	_ =	sdelay $0x3  }
0x37: {  	[smem:$0x3FB3] =	sst s10  }
0x38: {  	s10 =	sld [smem:$0x3FB4]  }
0x39: {  	_ = 	snop;
	(pc) =	sbr.ind lr, $3  }
0x3a: {  	_ = 	snop  }
0x3b: {  	_ = 	snop  }
0x3c: {  	p2 =	seq.s32 s10, $0x1;
	s10 =	sld [smem:$0x3FB3]  }
0x3d: {  	_ =	shalt  }
0x3e: {  	_ =	shalt  }
0x3f: {  	_ =	shalt  }
0x40: {  	_ =	shalt  }
0x41: {  	_ =	shalt  }
0x42: {  	_ =	shalt  }
0x43: {  	_ =	shalt  }
0x44: {  	_ =	shalt  }
0x45: {  	_ =	shalt  }
0x46: {  	_ =	shalt  }
0x47: {  	_ =	shalt  }
0x48: {  	_ =	shalt  }
0x49: {  	_ =	shalt  }
0x4a: {  	_ =	shalt  }
0x4b: {  	_ =	shalt  }
0x4c: {  	_ =	shalt  }
0x4d: {  	_ =	shalt  }
0x4e: {  	_ =	shalt  }
0x4f: {  	_ =	shalt  }
0x50: {  	_ =	shalt  }
0x51: {  	_ =	shalt  }
0x52: {  	_ =	shalt  }
0x53: {  	_ =	shalt  }
0x54: {  	_ =	shalt  }
0x55: {  	_ =	shalt  }
0x56: {  	_ =	shalt  }
0x57: {  	_ =	shalt  }
0x58: {  	_ =	shalt  }
0x59: {  	_ =	shalt  }
0x5a: {  	_ =	shalt  }
0x5b: {  	_ =	shalt  }
0x5c: {  	_ =	shalt  }
0x5d: {  	_ =	shalt  }
0x5e: {  	_ =	shalt  }
0x5f: {  	_ =	shalt  }
0x60: {  	_ =	shalt  }
0x61: {  	_ =	shalt  }
0x62: {  	_ =	shalt  }
0x63: {  	_ =	shalt  }
0x64: {  	_ =	shalt  }
0x65: {  	_ =	shalt  }
0x66: {  	_ =	shalt  }
0x67: {  	_ =	shalt  }
0x68: {  	_ =	shalt  }
0x69: {  	_ =	shalt  }
0x6a: {  	_ =	shalt  }
0x6b: {  	_ =	shalt  }
0x6c: {  	_ =	shalt  }
0x6d: {  	_ =	shalt  }
0x6e: {  	_ =	shalt  }
0x6f: {  	_ =	shalt  }
0x70: {  	_ =	shalt  }
0x71: {  	_ =	shalt  }
0x72: {  	_ =	shalt  }
0x73: {  	_ =	shalt  }
0x74: {  	_ =	shalt  }
0x75: {  	_ =	shalt  }
0x76: {  	_ =	shalt  }
0x77: {  	_ =	shalt  }
0x78: {  	_ =	shalt  }
0x79: {  	_ =	shalt  }
0x7a: {  	_ =	shalt  }
0x7b: {  	_ =	shalt  }
0x7c: {  	_ =	shalt  }
0x7d: {  	_ =	shalt  }
0x7e: {  	_ =	shalt  }
0x7f: {  	_ =	shalt  }
0x80: {  	_ =	shalt  }
0x81: {  	_ =	shalt  }
0x82: {  	_ =	shalt  }
0x83: {  	_ =	shalt  }
0x84: {  	_ =	shalt  }
0x85: {  	_ =	shalt  }
0x86: {  	_ =	shalt  }
0x87: {  	_ =	shalt  }
.Lfunc_end0:
.L_simem_size_0:
called_computation.1_lowered:
.L_overlay_start_0:
0x88: {  	s2 =	sld [smem:$0x3FD9]  }
0x89: {  	s3 =	sld [smem:$0x3FFE];
	_ =	sdelay $0x1  }
0x8a: {  	s1 =	srdreg.scid  }
0x8b: {  	s0 =	sand.u32 $0x1, s1  }
0x8c: {  	s17 =	sshll.u32 s0, $0xA;
	s2 =	sadd.s32 s3, s2  }
0x8d: {  	s2 =	sadd.s32 s2, s17  }
0x8e: {  	[smem:$0x3FBF] =	sst s2  }
0x8f: {  	_ = 	snop  }
0x90: {  	s2 =	sld [smem:$0x3FC9];
	(tm) =	ssettm $0x1  }
0x91: {  	s18 =	sld [smem:$0x3FFB];
	_ =	sdelay $0x3  }
0x92: {  	_ =	strace s18  }
0x93: {  	s3 =	sld [smem:$0x3FFC];
	_ =	sdelay $0x3  }
0x94: {  	_ =	strace s3  }
0x95: {  	s3 =	sld [smem:$0x3FFD];
	_ =	sdelay $0x3  }
0x96: {  	_ =	strace s3  }
0x97: {  	_ =	strace $0x8FFFFFFF  }
0x98: {  	s19 =	sld [smem:$0x3FDB];
	_ =	sdelay $0x1  }
0x99: {  	s4 =	simm.s32 $_scs_section_size  }
0x9a: {  	s5 =	simm.s32 $_size__tile_overlayer_lowered;
	s6 =	simm.s32 $_tile_overlayer_lowered  }
0x9b: {  	s22 =	simm.s32 $0x1BFF;
	s21 =	sshll.u32 s6, $0x1;
	s3 =	sadd.s32 s4, s19  }
0x9c: {  	s7 =	simm.s32 $0x0;
	s20 =	sshll.u32 s5, $0x1;
	s5 =	sadd.s32 s21, s3  }
0x9d: {  	[timem:s7], [sflag:s22] =	dma.local [hbm:s5], s20  }
0x9e: {  	_ =	swait.ge [sflag:s22], s20  }
0x9f: {  	s4 =	ssub.s32 $0x0, s20;
	[sflag:s22] =	ssyncset.done $0x0  }
0xa0: {  	[sflag:s22] =	ssyncadd.s32 s4;
	_ =	sdelay $0x1  }
0xa1: {  	s23 =	simm.s32 $0x1B8B  }
0xa2: {  	_ =	swait.ge [sflag:s23], $0x1  }
0xa3: {  	[sflag:s23] =	ssyncset.done $0x0  }
0xa4: {  	s25 =	simm.s32 $0x1B8E;
	s24 =	sld [smem:$0x3FFE];
	[sflag:s23] =	ssyncadd.s32 $0xFFFFFFFF  }
0xa5: {  	s26 =	simm.s32 $execute0_lowered;
	[smem:$0x3FD2] =	sst s25  }
0xa6: {  	s5 =	sshll.u32 s26, $0x1;
	_ =	strace $0x80000046;
	[dreg:$0x1] =	wrdreg $0xFFFFFFFF  }
0xa7: {  	s28 =	simm.s32 $_size_execute0_lowered;
	s3 =	sadd.s32 s3, s5;
	[dreg:$0x0] =	wrdreg $0x0  }
0xa8: {  	s5 =	sshll.u32 s28, $0x1;
	[dreg:$0x2] =	wrdreg s3  }
0xa9: {  	[dreg:$0x3] =	wrdreg s5  }
0xaa: {  	[dreg:$0x4] =	wrdreg $0xC0  }
0xab: {  	_ =	task [dreg:s7], $0x5FFFF  }
0xac: {  	[dreg:$0x1] =	wrdreg $0xFFFFFFFF  }
0xad: {  	[dreg:$0x0] =	wrdreg $0x60  }
0xae: {  	[dreg:$0x2] =	wrdreg s2  }
0xaf: {  	[dreg:$0x3] =	wrdreg s24  }
0xb0: {  	[dreg:$0x4] =	wrdreg $0x9  }
0xb1: {  	_ =	task.clear_ibuf [dreg:s7], $0x5FFFF;
	_ =	strace $0x90000046  }
0xb2: {  	s29 =	simm.s32 $0x9;
	_ =	strace $0x80000048  }
0xb3: {  	_ =	swait.ge [sflag:s29], $0x1  }
0xb4: {  	[sflag:s29] =	ssyncadd.s32 $0xFFFFFFFF  }
0xb5: {  	_ =	strace $0x90000048  }
0xb6: {  	_ =	sfence  }
0xb7: {  	s30 =	sld [smem:$0x0];
	_ =	sdelay $0x2  }
0xb8: {  	s31 =	sshll.u32 s1, $0xD;
	s1 =	sshrl.u32 s1, $0x2  }
0xb9: {  	s3 =	sand.u32 $0x4000, s31;
	s1 =	sadd.s32 s1, s30  }
0xba: {  	s0 =	sor.u32 s3, s0;
	s1 =	sshll.u32 s1, $0x11  }
0xbb: {  	s0 =	sor.u32 s1, s0  }
0xbc: {  	s0 =	sadd.s32 $0x8F2B, s0  }
0xbd: {  	[sflag:s0] =	ssyncadd.remote.s32 $0x1  }
0xbe: {  	_ =	sfence.sel $0xFFFF  }
0xbf: {  	[dreg:$0x0] =	wrdreg $0xFFFFFFFF;
	(pc) =	sbr.abs _section_cstart, $3  }
0xc0: {  	[dreg:$0x1] =	wrdreg $0xFFFFFFFF  }
0xc1: {  	_ =	task.clear_ibuf [dreg:s7], $0x2FFFF;
	_ =	strace $0x9FFFFFFF  }
0xc2: {  	(tm) =	ssettm $0x7FFFFFFF  }
0xc3: {  	_ =	shalt  }
tec
execute0_lowered:
.L_overlay_start_1:
0x0: {  	(tag) =	ssettag $0x1  }
0x1: {  	s1 =	srdreg.scid;
	s2 =	rddreg [dreg:$0x0]  }
0x2: {  	s0 =	stileid.u32;
	s5 =	rddreg [dreg:$0x1];
	s6 =	simm.s32 $0x1  }
0x3: {  	s9 =	simm.s32 $0x1;
	s10 =	simm.s32 $0x3;
	s1 =	sshll.u32 s1, $0x7  }
0x4: {  	s13 =	simm.s32 $0x0;
	s3 =	sshll.u32 s0, $0x8;
	s4 =	sand.u32 $0x80, s1  }
0x5: {  	s12 =	simm.s32 $0x0;
	s1 =	rddreg [dreg:$0x2];
	s3 =	sor.u32 s3, s4  }
0x6: {  	_ =	strace $0x80000047;
	s4 =	sadd.s32 $0x1EA00, s5;
	s8 =	ssub.s32 $0xF4280, s3  }
.Ltmp0:
0x7: {  	s5 =	sadd.s32 $0x3D400, s5;
	s7 =	sand.u32 $0xF80, s8;
	(pc) =	sbr.rel .LBB2_1-.Ltmp0, $4  }
0x8: {  	[sflag:s6] =	ssyncpa.u1 $0x0;
	s11 =	smov.u32 s3;
	p0 =	sne.s32 s7, $0x0  }
0x9: {  	s8 =	sshrl.u32 s8, $0xC;
	s7 =	simm.s32 $0x2;
	s9 =	simm.s32 @!p0 $0x0  }
0xa: {  	[sflag:s7] =	ssyncpa.u1 $0x0;
	p0 =	por $0x0, $0x0;
	s8 =	sadd.s32 s9, s8  }
0xb: {  	vm0 =	vmmov $0xffff;
	v0 =	vlaneseq.u32;
	[sflag:s10] =	ssyncpa.u1 $0x0;
	s10 =	simm.s32 $0x0;
	s9 =	sadd.s32 $0x1, s8  }
.LBB2_4:
0xc: {  	_ =	sdelay $0x3  }
0xd: {  	[tilespmem:s21], [sflag:$0x1] =	stream.indirect_vreg.gather [hbm4b:s2+s10], $0x1, v1, vm0, $0x4038;
	[tilespmem:$0x900] =	vst v63  }
0xe: {  	s15 =	sadd.s32 s17, s15  }
0xf: {  	v1 =	vld.msk [tilespmem:s15+$0x0 ss:$0x1], $0xffff;
	_ =	sdelay $0x4  }
0x10: {  	vm1 =	vgt.s32 v1, $0x0  }
0x11: {  	p1 =	sgt.s32 s18, $0x0;
	v1 =	vnsel vm1, $0x0, v1  }
0x12: {  	s18 =	simm.s32 @!p1 $0x0;
	v1 =	vmin.u32 v1, $0xF423F  }
0x13: {  	s22 =	smin.u32 s18, $0x10;
	v2 =	vshll.u32 v1, $0x3  }
0x14: {  	v3 =	vmov s22;
	v1 =	vand.u32 $0x7F, v1;
	v2 =	vand.u32 $0x7FFC00, v2  }
0x15: {  	vm1 =	vgt.u32 v3, v0;
	v1 =	vor.u32 v1, v2  }
0x16: {  	v2 =	vnsel vm1, $0x7FFFFFFF, v1;
	_ =	sdelay $0x1  }
0x17: {  	v3 =	vor.u32 $0x80, v1  }
0x18: {  	(ifvalue) =	ssetifvalue $0x7FFFFFFF;
	v3 =	vnsel vm1, $0x7FFFFFFF, v3  }
0x19: {  	s23 =	sadd.s32 s17, s16;
	(ifvalue) =	ssetifvalue $0x7FFFFFFF  }
0x1a: {  	v4 =	vor.u32 $0x100, v1;
	[tilespmem:s23], [sflag:$0x1] =	stream.indirect_vreg.gather [hbm4b:s2+s10], $0x1, v2, vm0, $0x4038;
	[tilespmem:$0x900] =	vst v63  }
0x1b: {  	(ifvalue) =	ssetifvalue $0x7FFFFFFF;
	v2 =	vnsel vm1, $0x7FFFFFFF, v4  }
0x1c: {  	s16 =	sadd.s32 $0x80, s23;
	(ifvalue) =	ssetifvalue $0x7FFFFFFF  }
0x1d: {  	v60 =	vor.u32 $0x180, v1;
	[tilespmem:s16], [sflag:$0x1] =	stream.indirect_vreg.gather [hbm4b:s2+s10], $0x1, v3, vm0, $0x4038;
	[tilespmem:$0x900] =	vst v63  }
0x1e: {  	v3 =	vnsel vm1, $0x7FFFFFFF, v60;
	(ifvalue) =	ssetifvalue $0x7FFFFFFF  }
0x1f: {  	s24 =	sadd.s32 $0x100, s23;
	(ifvalue) =	ssetifvalue $0x7FFFFFFF  }
0x20: {  	v61 =	vor.u32 $0x200, v1;
	[tilespmem:s24], [sflag:$0x1] =	stream.indirect_vreg.gather [hbm4b:s2+s10], $0x1, v2, vm0, $0x4038;
	[tilespmem:$0x900] =	vst v63  }
0x21: {  	(ifvalue) =	ssetifvalue $0x7FFFFFFF;
	v2 =	vnsel vm1, $0x7FFFFFFF, v61  }
0x22: {  	s25 =	sadd.s32 $0x180, s23;
	(ifvalue) =	ssetifvalue $0x7FFFFFFF  }
0x23: {  	v62 =	vor.u32 $0x280, v1;
	[tilespmem:s25], [sflag:$0x1] =	stream.indirect_vreg.gather [hbm4b:s2+s10], $0x1, v3, vm0, $0x4038;
	[tilespmem:$0x900] =	vst v63  }
0x24: {  	v3 =	vnsel vm1, $0x7FFFFFFF, v62;
	(ifvalue) =	ssetifvalue $0x7FFFFFFF  }
0x25: {  	s26 =	sadd.s32 $0x200, s23;
	(ifvalue) =	ssetifvalue $0x7FFFFFFF  }
0x26: {  	v63 =	vor.u32 $0x300, v1;
	[tilespmem:s26], [sflag:$0x1] =	stream.indirect_vreg.gather [hbm4b:s2+s10], $0x1, v2, vm0, $0x4038;
	[tilespmem:$0x900] =	vst v63  }
0x27: {  	(ifvalue) =	ssetifvalue $0x7FFFFFFF;
	v2 =	vnsel vm1, $0x7FFFFFFF, v63  }
0x28: {  	s28 =	sadd.s32 $0x280, s23;
	(ifvalue) =	ssetifvalue $0x7FFFFFFF  }
0x29: {  	v1 =	vor.u32 $0x380, v1;
	[tilespmem:s28], [sflag:$0x1] =	stream.indirect_vreg.gather [hbm4b:s2+s10], $0x1, v3, vm0, $0x4038;
	[tilespmem:$0x900] =	vst v63  }
0x2a: {  	v1 =	vnsel vm1, $0x7FFFFFFF, v1;
	(ifvalue) =	ssetifvalue $0x7FFFFFFF  }
0x2b: {  	s29 =	sadd.s32 $0x300, s23;
	(ifvalue) =	ssetifvalue $0x7FFFFFFF  }
0x2c: {  	[tilespmem:s29], [sflag:$0x1] =	stream.indirect_vreg.gather [hbm4b:s2+s10], $0x1, v2, vm0, $0x4038;
	[tilespmem:$0x900] =	vst v63  }
0x2d: {  	(ifvalue) =	ssetifvalue $0x7FFFFFFF  }
0x2e: {  	s30 =	sshll.u32 s13, $0x3;
	s15 =	sadd.s32 $0x380, s23;
	(ifvalue) =	ssetifvalue $0x7FFFFFFF  }
0x2f: {  	[tilespmem:s15], [sflag:$0x1] =	stream.indirect_vreg.gather [hbm4b:s2+s10], $0x1, v1, vm0, $0x4038;
	[tilespmem:$0x900] =	vst v63  }
0x30: {  	s31 =	sand.u32 $0x78, s13;
	s15 =	sand.u32 $0xFFFFFC00, s30  }
0x31: {  	_ =	swait.ge [sflag:s6], $0x400;
	s13 =	sor.u32 s31, s15  }
0x32: {  	[sflag:s6] =	ssyncset.done $0x0;
	s13 =	sshrl.u32 s13, $0x3  }
0x33: {  	[sflag:s6] =	ssyncadd.s32 $0xFFFFFC00;
	s13 =	sadd.s32 s5, s13  }
0x34: {  	[hbm:s13] =	stream.linear.scatter [tilespmem:s14], [sflag:$0x3], $0x400, $0x38;
	[tilespmem:$0x900] =	vst v63  }
.LBB2_5:
0x35: {  	s15 =	sadd.s32 $0x1000, s11  }
0x36: {  	p2 =	sgt.s32 s15, $0xF427F  }
0x37: {  	s15 =	smov.u32 @p2 s3;
	p2 =	sne.s32 s12, s9  }
.Ltmp1:
0x38: {  	p1 =	slt.u32 s12, $0x2;
	(pc) =	sbr.rel @!p2 .LBB2_6-.Ltmp1, $4  }
0x39: {  	s14 =	simm.s32 @!p1 $0x3  }
0x3a: {  	s16 =	sadd.s32 $0x1, s12;
	_ =	swait.ge @!p1 [sflag:s14], $0x400  }
0x3b: {  	s13 =	smov.u32 s11;
	p0 =	por !p0, !p0;
	[sflag:s14] =	ssyncset.done @!p1 $0x0  }
0x3c: {  	s12 =	smov.u32 s16;
	s11 =	smov.u32 s15;
	[sflag:s14] =	ssyncadd.s32 @!p1 $0xFFFFFC00  }
.LBB2_1:
0x3d: {  	p1 =	sge.u32 s12, s8  }
0x3e: {  	s14 =	sxor.u32 @!p1 $0xFFFFFFFF, s12  }
0x3f: {  	s31 =	sadd.s32 $0xFFFFFFFF, s12;
	s15 =	sshrl.u32 @!p1 s11, $0x3;
	s14 =	sshll.u32 @!p1 s14, $0x7  }
0x40: {  	s16 =	sand.u32 @!p1 $0x7, s11;
	s15 =	sadd.s32 @!p1 s4, s15;
	s14 =	sand.u32 @!p1 $0x80, s14  }
0x41: {  	[tilespmem:s14], [sflag:$0x2] =	stream.linear.gather @!p1 [hbm4b:s15+s16], $0x80, $0x38;
	[tilespmem:$0x900] =	vst v63  }
0x42: {  	p1 =	sge.u32 s31, s8  }
.Ltmp2:
0x43: {  	_ = 	snop;
	(pc) =	sbr.rel @p1 .LBB2_5-.Ltmp2, $1  }
0x44: {  	_ =	sdelay $0x3  }
0x45: {  	s14 =	simm.s32 $0x1  }
0x46: {  	_ =	swait.ge [sflag:s7], $0x80;
	s14 =	simm.s32 @!p0 $0x0  }
0x47: {  	[sflag:s7] =	ssyncset.done $0x0;
	s15 =	sshll.u32 s14, $0x7  }
0x48: {  	[sflag:s7] =	ssyncadd.s32 $0xFFFFFF80;
	s16 =	sadd.s32 $0x0, s15  }
0x49: {  	v1 =	vld.msk [tilespmem:s16+$0x0 ss:$0x1], $0xffff;
	_ =	sdelay $0x2  }
0x4a: {  	s18 =	ssub.s32 $0xF4240, s13  }
0x4b: {  	p1 =	slt.s32 s18, $0x80  }
0x4c: {  	s18 =	simm.s32 @!p1 $0x80;
	vm1 =	vgt.s32 v1, $0x0  }
0x4d: {  	p1 =	sgt.s32 s18, $0x0;
	s16 =	smov.u32 s18;
	v1 =	vnsel vm1, $0x0, v1  }
0x4e: {  	s16 =	simm.s32 @!p1 $0x0;
	v1 =	vmin.u32 v1, $0xF423F  }
0x4f: {  	s16 =	smin.u32 s16, $0x10;
	v2 =	vshll.u32 v1, $0x3  }
0x50: {  	v3 =	vmov s16;
	v1 =	vand.u32 $0x7F, v1;
	v2 =	vand.u32 $0x7FFC00, v2  }
0x51: {  	vm1 =	vgt.u32 v3, v0;
	v1 =	vor.u32 v1, v2  }
0x52: {  	v2 =	vnsel vm1, $0x7FFFFFFF, v1;
	_ =	sdelay $0x1  }
0x53: {  	s14 =	sshll.u32 s14, $0xA;
	v3 =	vor.u32 $0x80, v1  }
0x54: {  	(ifvalue) =	ssetifvalue $0x7FFFFFFF;
	s16 =	sor.u32 $0x100, s14;
	v3 =	vnsel vm1, $0x7FFFFFFF, v3  }
0x55: {  	(ifvalue) =	ssetifvalue $0x7FFFFFFF;
	s19 =	sadd.s32 $0x0, s16  }
0x56: {  	v4 =	vor.u32 $0x100, v1;
	[tilespmem:s19], [sflag:$0x1] =	stream.indirect_vreg.gather [hbm4b:s2+s10], $0x1, v2, vm0, $0x4038;
	[tilespmem:$0x900] =	vst v63  }
0x57: {  	(ifvalue) =	ssetifvalue $0x7FFFFFFF;
	v2 =	vnsel vm1, $0x7FFFFFFF, v4  }
0x58: {  	s25 =	sadd.s32 $0x80, s19;
	(ifvalue) =	ssetifvalue $0x7FFFFFFF  }
0x59: {  	v60 =	vor.u32 $0x180, v1;
	[tilespmem:s25], [sflag:$0x1] =	stream.indirect_vreg.gather [hbm4b:s2+s10], $0x1, v3, vm0, $0x4038;
	[tilespmem:$0x900] =	vst v63  }
0x5a: {  	v3 =	vnsel vm1, $0x7FFFFFFF, v60;
	(ifvalue) =	ssetifvalue $0x7FFFFFFF  }
0x5b: {  	s26 =	sadd.s32 $0x100, s19;
	(ifvalue) =	ssetifvalue $0x7FFFFFFF  }
0x5c: {  	v61 =	vor.u32 $0x200, v1;
	[tilespmem:s26], [sflag:$0x1] =	stream.indirect_vreg.gather [hbm4b:s2+s10], $0x1, v2, vm0, $0x4038;
	[tilespmem:$0x900] =	vst v63  }
0x5d: {  	(ifvalue) =	ssetifvalue $0x7FFFFFFF;
	v2 =	vnsel vm1, $0x7FFFFFFF, v61  }
0x5e: {  	s28 =	sadd.s32 $0x180, s19;
	(ifvalue) =	ssetifvalue $0x7FFFFFFF  }
0x5f: {  	v62 =	vor.u32 $0x280, v1;
	[tilespmem:s28], [sflag:$0x1] =	stream.indirect_vreg.gather [hbm4b:s2+s10], $0x1, v3, vm0, $0x4038;
	[tilespmem:$0x900] =	vst v63  }
0x60: {  	v3 =	vnsel vm1, $0x7FFFFFFF, v62;
	(ifvalue) =	ssetifvalue $0x7FFFFFFF  }
0x61: {  	s29 =	sadd.s32 $0x200, s19;
	(ifvalue) =	ssetifvalue $0x7FFFFFFF  }
0x62: {  	v63 =	vor.u32 $0x300, v1;
	[tilespmem:s29], [sflag:$0x1] =	stream.indirect_vreg.gather [hbm4b:s2+s10], $0x1, v2, vm0, $0x4038;
	[tilespmem:$0x900] =	vst v63  }
0x63: {  	(ifvalue) =	ssetifvalue $0x7FFFFFFF;
	v2 =	vnsel vm1, $0x7FFFFFFF, v63  }
0x64: {  	s17 =	sadd.s32 $0x280, s19;
	(ifvalue) =	ssetifvalue $0x7FFFFFFF  }
0x65: {  	v1 =	vor.u32 $0x380, v1;
	[tilespmem:s17], [sflag:$0x1] =	stream.indirect_vreg.gather [hbm4b:s2+s10], $0x1, v3, vm0, $0x4038;
	[tilespmem:$0x900] =	vst v63  }
0x66: {  	s30 =	sand.u32 $0x1, s12;
	s20 =	simm.s32 $0x80;
	v1 =	vnsel vm1, $0x7FFFFFFF, v1;
	(ifvalue) =	ssetifvalue $0x7FFFFFFF  }
0x67: {  	s14 =	sshll.u32 s30, $0xA;
	s31 =	sadd.s32 $0x300, s19;
	(ifvalue) =	ssetifvalue $0x7FFFFFFF  }
0x68: {  	[tilespmem:s31], [sflag:$0x1] =	stream.indirect_vreg.gather [hbm4b:s2+s10], $0x1, v2, vm0, $0x4038;
	[tilespmem:$0x900] =	vst v63  }
0x69: {  	s18 =	sadd.s32 $0xFFFFFFF0, s18;
	s14 =	sor.u32 $0x100, s14;
	(ifvalue) =	ssetifvalue $0x7FFFFFFF  }
0x6a: {  	s21 =	sadd.s32 $0x380, s19;
	s17 =	simm.s32 $0x10;
	(ifvalue) =	ssetifvalue $0x7FFFFFFF  }
.LBB2_3:
0x6b: {  	[tilespmem:s21], [sflag:$0x1] =	stream.indirect_vreg.gather [hbm4b:s2+s10], $0x1, v1, vm0, $0x4038;
	[tilespmem:$0x900] =	vst v63  }
0x6c: {  	s19 =	smov.u32 s20  }
0x6d: {  	s22 =	sadd.s32 s17, s15;
	s21 =	sshra.s32 s19, $0x2;
	s19 =	sadd.s32 $0x40, s20  }
0x6e: {  	p1 =	sne.s32 s20, $0x1C0;
	v1 =	vld.msk [tilespmem:s22+$0x0 ss:$0x1], $0xffff  }
0x6f: {  	(ifvalue) =	ssetifvalue $0x7FFFFFFF;
	_ =	sdelay $0x4  }
0x70: {  	vm1 =	vgt.s32 v1, $0x0  }
0x71: {  	p2 =	sgt.s32 s18, $0x0;
	s20 =	smov.u32 s18;
	v1 =	vnsel vm1, $0x0, v1  }
0x72: {  	s20 =	simm.s32 @!p2 $0x0;
	v1 =	vmin.u32 v1, $0xF423F  }
0x73: {  	s20 =	smin.u32 s20, $0x10;
	v2 =	vshll.u32 v1, $0x3  }
0x74: {  	v3 =	vmov s20;
	v1 =	vand.u32 $0x7F, v1;
	v2 =	vand.u32 $0x7FFC00, v2  }
0x75: {  	vm1 =	vgt.u32 v3, v0;
	v1 =	vor.u32 v1, v2  }
0x76: {  	v2 =	vnsel vm1, $0x7FFFFFFF, v1;
	v3 =	vor.u32 $0x80, v1;
	v4 =	vor.u32 $0x100, v1  }
0x77: {  	v5 =	vor.u32 $0x180, v1;
	v6 =	vor.u32 $0x200, v1;
	v7 =	vor.u32 $0x280, v1  }
0x78: {  	v8 =	vor.u32 $0x300, v1;
	v1 =	vor.u32 $0x380, v1  }
0x79: {  	v3 =	vnsel vm1, $0x7FFFFFFF, v3  }
0x7a: {  	s20 =	sadd.s32 s17, s16;
	s17 =	smov.u32 s21;
	(ifvalue) =	ssetifvalue $0x7FFFFFFF  }
0x7b: {  	[tilespmem:s20], [sflag:$0x1] =	stream.indirect_vreg.gather [hbm4b:s2+s10], $0x1, v2, vm0, $0x4038;
	[tilespmem:$0x900] =	vst v63  }
0x7c: {  	v2 =	vnsel vm1, $0x7FFFFFFF, v4;
	(ifvalue) =	ssetifvalue $0x7FFFFFFF  }
0x7d: {  	s21 =	sadd.s32 $0x80, s20;
	(ifvalue) =	ssetifvalue $0x7FFFFFFF  }
0x7e: {  	[tilespmem:s21], [sflag:$0x1] =	stream.indirect_vreg.gather [hbm4b:s2+s10], $0x1, v3, vm0, $0x4038;
	[tilespmem:$0x900] =	vst v63  }
0x7f: {  	v3 =	vnsel vm1, $0x7FFFFFFF, v5;
	(ifvalue) =	ssetifvalue $0x7FFFFFFF  }
0x80: {  	s21 =	sadd.s32 $0x100, s20;
	(ifvalue) =	ssetifvalue $0x7FFFFFFF  }
0x81: {  	[tilespmem:s21], [sflag:$0x1] =	stream.indirect_vreg.gather [hbm4b:s2+s10], $0x1, v2, vm0, $0x4038;
	[tilespmem:$0x900] =	vst v63  }
0x82: {  	v2 =	vnsel vm1, $0x7FFFFFFF, v6;
	(ifvalue) =	ssetifvalue $0x7FFFFFFF  }
0x83: {  	s21 =	sadd.s32 $0x180, s20;
	(ifvalue) =	ssetifvalue $0x7FFFFFFF  }
0x84: {  	[tilespmem:s21], [sflag:$0x1] =	stream.indirect_vreg.gather [hbm4b:s2+s10], $0x1, v3, vm0, $0x4038;
	[tilespmem:$0x900] =	vst v63  }
0x85: {  	v3 =	vnsel vm1, $0x7FFFFFFF, v7;
	(ifvalue) =	ssetifvalue $0x7FFFFFFF  }
0x86: {  	s21 =	sadd.s32 $0x200, s20;
	(ifvalue) =	ssetifvalue $0x7FFFFFFF  }
0x87: {  	[tilespmem:s21], [sflag:$0x1] =	stream.indirect_vreg.gather [hbm4b:s2+s10], $0x1, v2, vm0, $0x4038;
	[tilespmem:$0x900] =	vst v63  }
0x88: {  	v2 =	vnsel vm1, $0x7FFFFFFF, v8;
	(ifvalue) =	ssetifvalue $0x7FFFFFFF  }
0x89: {  	s21 =	sadd.s32 $0x280, s20;
	(ifvalue) =	ssetifvalue $0x7FFFFFFF  }
0x8a: {  	[tilespmem:s21], [sflag:$0x1] =	stream.indirect_vreg.gather [hbm4b:s2+s10], $0x1, v3, vm0, $0x4038;
	[tilespmem:$0x900] =	vst v63  }
.Ltmp3:
0x8b: {  	v1 =	vnsel vm1, $0x7FFFFFFF, v1;
	(ifvalue) =	ssetifvalue $0x7FFFFFFF;
	(pc) =	sbr.rel @p1 .LBB2_3-.Ltmp3, $4  }
0x8c: {  	s21 =	sadd.s32 $0x300, s20;
	(ifvalue) =	ssetifvalue $0x7FFFFFFF  }
0x8d: {  	[tilespmem:s21], [sflag:$0x1] =	stream.indirect_vreg.gather [hbm4b:s2+s10], $0x1, v2, vm0, $0x4038;
	[tilespmem:$0x900] =	vst v63  }
0x8e: {  	s18 =	sadd.s32 $0xFFFFFFF0, s18;
	(ifvalue) =	ssetifvalue $0x7FFFFFFF  }
0x8f: {  	s21 =	sadd.s32 $0x380, s20;
	s20 =	smov.u32 s19;
	(ifvalue) =	ssetifvalue $0x7FFFFFFF  }
.Ltmp4:
0x90: {  	_ = 	snop;
	(pc) =	sbr.rel .LBB2_4-.Ltmp4, $1  }
0x91: {  	_ =	sdelay $0x3  }
.LBB2_6:
0x92: {  	_ =	sfence.sel $0x180000  }
0x93: {  	s2 =	simm.s32 $0x2;
	[bflag:$0x0] =	sbarrier.arrive $0xFFFF  }
0x94: {  	s30 =	simm.s32 $0x3;
	[sflag:s2] =	ssyncpa.u1 $0x1  }
0x95: {  	s31 =	simm.s32 $0x1;
	[sflag:s30] =	ssyncpa.u1 $0x1  }
0x96: {  	[sflag:s31] =	ssyncpa.u1 $0x1  }
0x97: {  	p0 =	sne.s32 s0, $0x0;
	_ =	strace $0x90000047  }
0x98: {  	s0 =	sadd.s32 @!p0 $0x100000, s1;
	[bflag:$0x2] =	sbarrier.arrive $0xFFFF  }
0x99: {  	[sflag:s0] =	ssyncadd.tile.s32 @!p0 $0x1;
	_ =	shalt  }
.Lfunc_end2:
_tile_overlayer_lowered:
.L_overlay_start_2:
0x9a: {  	(tag) =	ssettag $0x2  }
0x9b: {  	s0 =	rddreg [dreg:$0x0];
	s2 =	stileid.u32  }
0x9c: {  	s1 =	rddreg [dreg:$0x1];
	p0 =	sne.s32 s2, $0x0  }
0x9d: {  	s3 =	rddreg [dreg:$0x2];
	[bflag:$0x3] =	sbarrier.arrive $0xFFFF;
	s2 =	simm.s32 @!p0 $0x1C01  }
0x9e: {  	[timem:s3], [sflag:s2] =	dma.local @!p0 [hbm:s0], s1  }
0x9f: {  	s0 =	simm.s32 @!p0 $0x1  }
0xa0: {  	_ =	swait.ge @!p0 [sflag:s0], s1  }
0xa1: {  	s1 =	ssub.s32 @!p0 $0x0, s1;
	[sflag:s0] =	ssyncset.done @!p0 $0x0  }
0xa2: {  	[sflag:s0] =	ssyncadd.s32 @!p0 s1  }
0xa3: {  	[bflag:$0x3] =	sbarrier.arrive $0xFFFF  }
0xa4: {  	_ =	shalt  }

// kernel: gather_offload_async_start
scs
__scs_entry_jumppad:
0x0: {  	(pc) =	sbr.rel $0x88, $3  }
0x1: {  	(tag) =	ssettag $0x0;
	lr =	simm.s32 $0x1  }
0x2: {  	[smem:$0x3F98] =	sst lr;
	_ =	strace $0xD0000000  }
0x3: {  	_ = 	snop  }
0x4: {  	_ = 	snop  }
0x5: {  	_ = 	snop  }
0x6: {  	_ = 	snop  }
0x7: {  	_ = 	snop  }
__scs_overlays_trampoline_lowered:
0x8: {  	[smem:$0x3FA7] =	sst s0  }
0x9: {  	[smem:$0x3FA8] =	sst s1  }
0xa: {  	[smem:$0x3FA9] =	sst s2  }
0xb: {  	[smem:$0x3FAA] =	sst s3  }
0xc: {  	[smem:$0x3FAB] =	sst s4  }
0xd: {  	[smem:$0x3FAC] =	sst s5  }
0xe: {  	[smem:$0x3FAD] =	sst s6  }
0xf: {  	[smem:$0x3FAE] =	sst s7  }
0x10: {  	[smem:$0x3FAF] =	sst s8  }
0x11: {  	[smem:$0x3FB0] =	sst s9;
	s0 =	simm.s32 @!p0 $0x0  }
0x12: {  	s1 =	sld [smem:$0x3F96];
	s0 =	simm.s32 @p0 $0x1  }
0x13: {  	[smem:$0x3FB1] =	sst s0;
	s0 =	simm.s32 @!p1 $0x0  }
0x14: {  	s2 =	sld [smem:$0x3F95];
	s0 =	simm.s32 @p1 $0x1  }
0x15: {  	[smem:$0x3FB2] =	sst s0;
	s0 =	simm.s32 @!p2 $0x0  }
0x16: {  	s3 =	sld [smem:$0x3FDB];
	s0 =	simm.s32 @p2 $0x1  }
0x17: {  	s4 =	simm.s32 $0x1BF5;
	[smem:$0x3FB4] =	sst s0  }
0x18: {  	s0 =	sld [smem:$0x3F97];
	_ =	swait.ge [sflag:s4], $0x0  }
0x19: {  	s7 =	sld [smem:$0x3F98]  }
0x1a: {  	s8 =	sadd.s32 $0xFFFFE003, lr  }
0x1b: {  	s9 =	sadd.s32 $0xFFFFFEF7, lr;
	s5 =	simm.s32 $0xFFFFFFFF;
	p2 =	slt.u32 s8, $0xFFFFF086  }
0x1c: {  	p1 =	slt.u32 s9, $0xF7A;
	s5 =	simm.s32 @!p2 $0x0  }
0x1d: {  	s5 =	simm.s32 @p1 $0x1;
	p0 =	seq.s32 s7, s2  }
0x1e: {  	s7 =	smul.u32 @!p0 $0xF7A, s2;
	p2 =	seq.s32 @!p0 s5, $0x0  }
0x1f: {  	s9 =	smul.u32 $0xF7A, s1;
	s8 =	simm.s32 @!p0 $0x1BF5;
	p2 =	por !p2, p0  }
0x20: {  	[sflag:s8] =	ssyncset.s32 @!p0 $0xFFFFF086;
	s6 =	sadd.s32 @!p0 s3, s7;
	s7 =	simm.s32 @!p0 $0x108  }
0x21: {  	s3 =	sadd.s32 s3, s9;
	s6 =	sadd.s32 @!p0 $0x88, s6;
	s7 =	simm.s32 @p2 $0x1082  }
0x22: {  	[simem:s7], [sflag:s8] =	dma.local @!p0 [hbm:s6], $0xF7A  }
0x23: {  	s9 =	sor.u32 $0xD0000000, s2;
	s6 =	simm.s32 $0x108;
	_ =	swait.ge @!p0 [sflag:s8], $0x0  }
0x24: {  	s3 =	sadd.s32 $0x88, s3;
	s6 =	simm.s32 @!p1 $0x1082;
	[sflag:s4] =	ssyncset.s32 $0xFFFFF086  }
0x25: {  	[simem:s6], [sflag:s4] =	dma.local [hbm:s3], $0xF7A  }
0x26: {  	[smem:$0x3F98] =	sst s1;
	(tag) =	ssettag s2;
	_ =	strace s9  }
0x27: {  	s1 =	sld [smem:$0x3FA8]  }
0x28: {  	s2 =	sld [smem:$0x3FA9]  }
0x29: {  	s4 =	sld [smem:$0x3FAB]  }
0x2a: {  	p0 =	seq.s32 s5, $0x0;
	s5 =	sld [smem:$0x3FAC]  }
0x2b: {  	s6 =	sld [smem:$0x3FAD]  }
0x2c: {  	s7 =	sld [smem:$0x3FAE]  }
0x2d: {  	s3 =	simm.s32 $0x108;
	s8 =	sld [smem:$0x3FAF]  }
0x2e: {  	s3 =	simm.s32 @!p0 $0x1082;
	s9 =	sld [smem:$0x3FB0]  }
0x2f: {  	lr =	sadd.s32 s0, s3;
	s0 =	sld [smem:$0x3FA7]  }
0x30: {  	s3 =	sld [smem:$0x3FAA]  }
0x31: {  	[smem:$0x3FB3] =	sst s10  }
0x32: {  	s10 =	sld [smem:$0x3FB1];
	_ =	sdelay $0x3  }
0x33: {  	p0 =	seq.s32 s10, $0x1;
	s10 =	sld [smem:$0x3FB3];
	_ =	sdelay $0x3  }
0x34: {  	[smem:$0x3FB3] =	sst s10  }
0x35: {  	s10 =	sld [smem:$0x3FB2];
	_ =	sdelay $0x3  }
0x36: {  	p1 =	seq.s32 s10, $0x1;
	s10 =	sld [smem:$0x3FB3];
	_ =	sdelay $0x3  }
0x37: {  	[smem:$0x3FB3] =	sst s10  }
0x38: {  	s10 =	sld [smem:$0x3FB4]  }
0x39: {  	_ = 	snop;
	(pc) =	sbr.ind lr, $3  }
0x3a: {  	_ = 	snop  }
0x3b: {  	_ = 	snop  }
0x3c: {  	p2 =	seq.s32 s10, $0x1;
	s10 =	sld [smem:$0x3FB3]  }
0x3d: {  	_ =	shalt  }
0x3e: {  	_ =	shalt  }
0x3f: {  	_ =	shalt  }
0x40: {  	_ =	shalt  }
0x41: {  	_ =	shalt  }
0x42: {  	_ =	shalt  }
0x43: {  	_ =	shalt  }
0x44: {  	_ =	shalt  }
0x45: {  	_ =	shalt  }
0x46: {  	_ =	shalt  }
0x47: {  	_ =	shalt  }
0x48: {  	_ =	shalt  }
0x49: {  	_ =	shalt  }
0x4a: {  	_ =	shalt  }
0x4b: {  	_ =	shalt  }
0x4c: {  	_ =	shalt  }
0x4d: {  	_ =	shalt  }
0x4e: {  	_ =	shalt  }
0x4f: {  	_ =	shalt  }
0x50: {  	_ =	shalt  }
0x51: {  	_ =	shalt  }
0x52: {  	_ =	shalt  }
0x53: {  	_ =	shalt  }
0x54: {  	_ =	shalt  }
0x55: {  	_ =	shalt  }
0x56: {  	_ =	shalt  }
0x57: {  	_ =	shalt  }
0x58: {  	_ =	shalt  }
0x59: {  	_ =	shalt  }
0x5a: {  	_ =	shalt  }
0x5b: {  	_ =	shalt  }
0x5c: {  	_ =	shalt  }
0x5d: {  	_ =	shalt  }
0x5e: {  	_ =	shalt  }
0x5f: {  	_ =	shalt  }
0x60: {  	_ =	shalt  }
0x61: {  	_ =	shalt  }
0x62: {  	_ =	shalt  }
0x63: {  	_ =	shalt  }
0x64: {  	_ =	shalt  }
0x65: {  	_ =	shalt  }
0x66: {  	_ =	shalt  }
0x67: {  	_ =	shalt  }
0x68: {  	_ =	shalt  }
0x69: {  	_ =	shalt  }
0x6a: {  	_ =	shalt  }
0x6b: {  	_ =	shalt  }
0x6c: {  	_ =	shalt  }
0x6d: {  	_ =	shalt  }
0x6e: {  	_ =	shalt  }
0x6f: {  	_ =	shalt  }
0x70: {  	_ =	shalt  }
0x71: {  	_ =	shalt  }
0x72: {  	_ =	shalt  }
0x73: {  	_ =	shalt  }
0x74: {  	_ =	shalt  }
0x75: {  	_ =	shalt  }
0x76: {  	_ =	shalt  }
0x77: {  	_ =	shalt  }
0x78: {  	_ =	shalt  }
0x79: {  	_ =	shalt  }
0x7a: {  	_ =	shalt  }
0x7b: {  	_ =	shalt  }
0x7c: {  	_ =	shalt  }
0x7d: {  	_ =	shalt  }
0x7e: {  	_ =	shalt  }
0x7f: {  	_ =	shalt  }
0x80: {  	_ =	shalt  }
0x81: {  	_ =	shalt  }
0x82: {  	_ =	shalt  }
0x83: {  	_ =	shalt  }
0x84: {  	_ =	shalt  }
0x85: {  	_ =	shalt  }
0x86: {  	_ =	shalt  }
0x87: {  	_ =	shalt  }
.Lfunc_end0:
.L_simem_size_0:
called_computation_lowered:
.L_overlay_start_0:
0x88: {  	s2 =	sld [smem:$0x3FD9]  }
0x89: {  	s3 =	sld [smem:$0x3FFE];
	_ =	sdelay $0x1  }
0x8a: {  	s1 =	srdreg.scid  }
0x8b: {  	s0 =	sand.u32 $0x1, s1  }
0x8c: {  	s16 =	sshll.u32 s0, $0xA;
	s2 =	sadd.s32 s3, s2  }
0x8d: {  	s2 =	sadd.s32 s2, s16  }
0x8e: {  	[smem:$0x3FBF] =	sst s2  }
0x8f: {  	_ = 	snop  }
0x90: {  	(tm) =	ssettm $0x1  }
0x91: {  	s17 =	sld [smem:$0x3FFB];
	_ =	sdelay $0x3  }
0x92: {  	_ =	strace s17  }
0x93: {  	s2 =	sld [smem:$0x3FFC];
	_ =	sdelay $0x3  }
0x94: {  	_ =	strace s2  }
0x95: {  	s2 =	sld [smem:$0x3FFD];
	_ =	sdelay $0x3  }
0x96: {  	_ =	strace s2  }
0x97: {  	_ =	strace $0x8FFFFFFF  }
0x98: {  	s18 =	sld [smem:$0x3FDB];
	_ =	sdelay $0x1  }
0x99: {  	s19 =	simm.s32 $_scs_section_size  }
0x9a: {  	s4 =	simm.s32 $_size__tile_overlayer_lowered;
	s5 =	simm.s32 $_tile_overlayer_lowered  }
0x9b: {  	s22 =	simm.s32 $0x1BFF;
	s21 =	sshll.u32 s5, $0x1;
	s2 =	sadd.s32 s19, s18  }
0x9c: {  	s6 =	simm.s32 $0x0;
	s20 =	sshll.u32 s4, $0x1;
	s4 =	sadd.s32 s21, s2  }
0x9d: {  	[timem:s6], [sflag:s22] =	dma.local [hbm:s4], s20  }
0x9e: {  	_ =	swait.ge [sflag:s22], s20  }
0x9f: {  	s3 =	ssub.s32 $0x0, s20;
	[sflag:s22] =	ssyncset.done $0x0  }
0xa0: {  	[sflag:s22] =	ssyncadd.s32 s3;
	_ =	sdelay $0x1  }
0xa1: {  	s23 =	simm.s32 $0x1B8B  }
0xa2: {  	_ =	swait.ge [sflag:s23], $0x1  }
0xa3: {  	[sflag:s23] =	ssyncset.done $0x0  }
0xa4: {  	s25 =	simm.s32 $0x1B8E;
	s24 =	sld [smem:$0x3FFE];
	[sflag:s23] =	ssyncadd.s32 $0xFFFFFFFF  }
0xa5: {  	s26 =	simm.s32 $execute0_lowered;
	[smem:$0x3FD2] =	sst s25  }
0xa6: {  	s4 =	sshll.u32 s26, $0x1;
	_ =	strace $0x80000049;
	[dreg:$0x1] =	wrdreg $0xFFFFFFFF  }
0xa7: {  	s28 =	simm.s32 $_size_execute0_lowered;
	s2 =	sadd.s32 s2, s4;
	[dreg:$0x0] =	wrdreg $0x0  }
0xa8: {  	s4 =	sshll.u32 s28, $0x1;
	[dreg:$0x2] =	wrdreg s2  }
0xa9: {  	[dreg:$0x3] =	wrdreg s4  }
0xaa: {  	[dreg:$0x4] =	wrdreg $0xC0  }
0xab: {  	_ =	task [dreg:s6], $0x5FFFF  }
0xac: {  	[dreg:$0x1] =	wrdreg $0xFFFFFFFF  }
0xad: {  	[dreg:$0x0] =	wrdreg $0x60  }
0xae: {  	[dreg:$0x2] =	wrdreg s24  }
0xaf: {  	[dreg:$0x3] =	wrdreg $0x9  }
0xb0: {  	_ =	task.clear_ibuf [dreg:s6], $0x4FFFF;
	_ =	strace $0x90000049  }
0xb1: {  	s29 =	simm.s32 $0x9;
	_ =	strace $0x8000004B  }
0xb2: {  	_ =	swait.ge [sflag:s29], $0x1  }
0xb3: {  	[sflag:s29] =	ssyncadd.s32 $0xFFFFFFFF  }
0xb4: {  	_ =	strace $0x9000004B  }
0xb5: {  	_ =	sfence  }
0xb6: {  	s30 =	sld [smem:$0x0];
	_ =	sdelay $0x2  }
0xb7: {  	s31 =	sshll.u32 s1, $0xD;
	s1 =	sshrl.u32 s1, $0x2  }
0xb8: {  	s3 =	sand.u32 $0x4000, s31;
	s1 =	sadd.s32 s1, s30  }
0xb9: {  	s0 =	sor.u32 s3, s0;
	s1 =	sshll.u32 s1, $0x11  }
0xba: {  	s0 =	sor.u32 s1, s0  }
0xbb: {  	s0 =	sadd.s32 $0x8F2B, s0  }
0xbc: {  	[sflag:s0] =	ssyncadd.remote.s32 $0x1  }
0xbd: {  	_ =	sfence.sel $0xFFFF  }
0xbe: {  	[dreg:$0x0] =	wrdreg $0xFFFFFFFF;
	(pc) =	sbr.abs _section_cstart, $3  }
0xbf: {  	[dreg:$0x1] =	wrdreg $0xFFFFFFFF  }
0xc0: {  	_ =	task.clear_ibuf [dreg:s6], $0x2FFFF;
	_ =	strace $0x9FFFFFFF  }
0xc1: {  	(tm) =	ssettm $0x7FFFFFFF  }
tec
execute0_lowered:
.L_overlay_start_1:
0x0: {  	(tag) =	ssettag $0x1  }
0x1: {  	s8 =	rddreg [dreg:$0x0];
	s1 =	stileid.u32  }
0x2: {  	s2 =	srdreg.scid;
	s0 =	rddreg [dreg:$0x1]  }
0x3: {  	_ =	strace $0x8000004A;
	s5 =	simm.s32 $0x1;
	s9 =	simm.s32 $0x1  }
0x4: {  	s10 =	simm.s32 $0x3;
	s2 =	sand.u32 $0x1, s2;
	s3 =	sshll.u32 s1, $0x1  }
0x5: {  	s13 =	simm.s32 $0x0;
	s12 =	simm.s32 $0x0;
	s6 =	sor.u32 s3, s2  }
0x6: {  	[sflag:s5] =	ssyncpa.u1 $0x0;
	s2 =	sadd.s32 $0x8000, s8;
	s4 =	smul.u32 $0x4E20, s6  }
0x7: {  	s3 =	sadd.s32 $0x63E00, s8;
	p0 =	slt.u32 s6, $0x13;
	s6 =	simm.s32 $0x9C400  }
.Ltmp0:
0x8: {  	s6 =	simm.s32 @!p0 $0x0;
	s7 =	ssub.s32 $0xF4240, s4;
	(pc) =	sbr.rel .LBB2_1-.Ltmp0, $4  }
0x9: {  	s9 =	simm.s32 @!p0 $0x0;
	p0 =	sne.s32 s7, s6;
	s7 =	simm.s32 $0x1  }
0xa: {  	s8 =	sadd.s32 $0x82800, s8;
	s6 =	simm.s32 $0x2;
	s7 =	simm.s32 @!p0 $0x0  }
0xb: {  	s11 =	smov.u32 s4;
	[sflag:s6] =	ssyncpa.u1 $0x0;
	s7 =	sadd.s32 s9, s7  }
0xc: {  	vm0 =	vmmov $0xffff;
	[sflag:s10] =	ssyncpa.u1 $0x0;
	s10 =	simm.s32 $0x0;
	s9 =	sadd.s32 $0x1, s7  }
.LBB2_4:
0xd: {  	v2 =	vnsel vm1, $0x0, v2  }
0xe: {  	vm1 =	vgt.s32 v0, $0x0;
	v2 =	vmin.u32 v2, $0xF423F  }
0xf: {  	v0 =	vnsel vm1, $0x0, v0  }
0x10: {  	v0 =	vmin.u32 v0, $0xF423F  }
0x11: {  	[tilespmem:s18], [sflag:$0x1] =	stream.indirect_vreg.gather [hbm4b:s2+s10], $0x1, v1, vm0, $0x4038;
	[tilespmem:$0x13880] =	vst v63  }
0x12: {  	(ifvalue) =	ssetifvalue $0x7FFFFFFF  }
0x13: {  	[tilespmem:s15], [sflag:$0x1] =	stream.indirect_vreg.gather [hbm4b:s2+s10], $0x1, v2, vm0, $0x4038;
	[tilespmem:$0x13880] =	vst v63  }
0x14: {  	s29 =	sadd.s32 $0x10, s15;
	(ifvalue) =	ssetifvalue $0x7FFFFFFF  }
0x15: {  	[tilespmem:s29], [sflag:$0x1] =	stream.indirect_vreg.gather [hbm4b:s2+s10], $0x1, v0, vm0, $0x4038;
	[tilespmem:$0x13880] =	vst v63  }
0x16: {  	_ =	swait.ge [sflag:s5], $0x4E20  }
0x17: {  	s30 =	sshrl.u32 s13, $0x3;
	[sflag:s5] =	ssyncset.done $0x0  }
0x18: {  	s31 =	sand.u32 $0x7, s13;
	s15 =	sadd.s32 s8, s30;
	[sflag:s5] =	ssyncadd.s32 $0xFFFFB1E0  }
0x19: {  	[hbm4b:s15+s31] =	stream.linear.scatter [tilespmem:s14], [sflag:$0x3], $0x4E20, $0x38;
	[tilespmem:$0x13880] =	vst v63  }
.LBB2_5:
0x1a: {  	s15 =	sadd.s32 $0x9C400, s11  }
0x1b: {  	p1 =	sgt.s32 s15, $0xF423F  }
0x1c: {  	s15 =	smov.u32 @p1 s4;
	p1 =	sne.s32 s12, s9  }
.Ltmp1:
0x1d: {  	p0 =	slt.u32 s12, $0x2;
	(pc) =	sbr.rel @!p1 .LBB2_6-.Ltmp1, $4  }
0x1e: {  	s14 =	simm.s32 @!p0 $0x3  }
0x1f: {  	_ =	swait.ge @!p0 [sflag:s14], $0x4E20  }
0x20: {  	s16 =	sadd.s32 $0x1, s12;
	s13 =	smov.u32 s11;
	[sflag:s14] =	ssyncset.done @!p0 $0x0  }
0x21: {  	s12 =	smov.u32 s16;
	s11 =	smov.u32 s15;
	[sflag:s14] =	ssyncadd.s32 @!p0 $0xFFFFB1E0  }
.LBB2_1:
0x22: {  	p0 =	sge.u32 s12, s7  }
0x23: {  	s14 =	sxor.u32 @!p0 $0x1, s12  }
0x24: {  	s14 =	smul.u32 @!p0 $0x13880, s14  }
0x25: {  	s31 =	sadd.s32 $0xFFFFFFFF, s12;
	s15 =	sshrl.u32 @!p0 s11, $0x3  }
0x26: {  	s16 =	sand.u32 @!p0 $0x7, s11;
	s15 =	sadd.s32 @!p0 s3, s15;
	s14 =	sshra.s32 @!p0 s14, $0x2  }
0x27: {  	[tilespmem:s14], [sflag:$0x2] =	stream.linear.gather @!p0 [hbm4b:s15+s16], $0x4E20, $0x38;
	[tilespmem:$0x13880] =	vst v63  }
0x28: {  	p0 =	sge.u32 s31, s7  }
.Ltmp2:
0x29: {  	_ = 	snop;
	(pc) =	sbr.rel @p0 .LBB2_5-.Ltmp2, $1  }
0x2a: {  	_ =	sdelay $0x3  }
0x2b: {  	s14 =	sand.u32 $0x1, s12  }
0x2c: {  	_ =	swait.ge [sflag:s6], $0x4E20;
	p0 =	seq.s32 s14, $0x1;
	s14 =	simm.s32 $0x4E20  }
0x2d: {  	[sflag:s6] =	ssyncset.done $0x0;
	s14 =	simm.s32 @!p0 $0x0  }
0x2e: {  	[sflag:s6] =	ssyncadd.s32 $0xFFFFB1E0;
	(ifvalue) =	ssetifvalue $0x7FFFFFFF;
	v0 =	vld.msk [tilespmem:s14+$0x0 ss:$0x1], $0xffff;
	_ =	sdelay $0x4  }
0x2f: {  	s15 =	sadd.s32 $0x10, s14;
	vm1 =	vgt.s32 v0, $0x0  }
0x30: {  	v2 =	vld.msk [tilespmem:s15+$0x0 ss:$0x1], $0xffff;
	v1 =	vnsel vm1, $0x0, v0  }
0x31: {  	v1 =	vmin.u32 v1, $0xF423F;
	_ =	sdelay $0x2  }
0x32: {  	s17 =	simm.s32 $0x20;
	s14 =	sadd.s32 $0x9C40, s14;
	s16 =	sadd.s32 $0x10, s15  }
0x33: {  	s15 =	sadd.s32 $0x10, s14;
	s18 =	smov.u32 s14;
	v0 =	vld.msk [tilespmem:s16+$0x0 ss:$0x1], $0xffff;
	vm1 =	vgt.s32 v2, $0x0;
	(ifvalue) =	ssetifvalue $0x7FFFFFFF  }
.LBB2_3:
0x34: {  	[tilespmem:s18], [sflag:$0x1] =	stream.indirect_vreg.gather [hbm4b:s2+s10], $0x1, v1, vm0, $0x4038;
	[tilespmem:$0x13880] =	vst v63  }
0x35: {  	s17 =	sadd.s32 $0x10, s17  }
0x36: {  	v2 =	vnsel vm1, $0x0, v2;
	p0 =	slt.u32 s17, $0x4E10  }
.Ltmp3:
0x37: {  	s18 =	smov.u32 s15;
	v1 =	vmin.u32 v2, $0xF423F;
	(pc) =	sbr.rel @p0 .LBB2_3-.Ltmp3, $3  }
0x38: {  	_ =	sdelay $0x1  }
0x39: {  	s16 =	sadd.s32 $0x10, s16  }
0x3a: {  	vm1 =	vgt.s32 v0, $0x0;
	s15 =	sadd.s32 $0x10, s15;
	v2 =	vmov v0;
	(ifvalue) =	ssetifvalue $0x7FFFFFFF;
	v0 =	vld.msk [tilespmem:s16+$0x0 ss:$0x1], $0xffff  }
.Ltmp4:
0x3b: {  	_ = 	snop;
	(pc) =	sbr.rel .LBB2_4-.Ltmp4, $1  }
0x3c: {  	_ =	sdelay $0x3  }
.LBB2_6:
0x3d: {  	_ =	sfence.sel $0x180000  }
0x3e: {  	s2 =	simm.s32 $0x2;
	[bflag:$0x0] =	sbarrier.arrive $0xFFFF  }
0x3f: {  	s30 =	simm.s32 $0x3;
	[sflag:s2] =	ssyncpa.u1 $0x1  }
0x40: {  	s31 =	simm.s32 $0x1;
	[sflag:s30] =	ssyncpa.u1 $0x1  }
0x41: {  	[sflag:s31] =	ssyncpa.u1 $0x1  }
0x42: {  	p0 =	sne.s32 s1, $0x0;
	_ =	strace $0x9000004A  }
0x43: {  	s0 =	sadd.s32 @!p0 $0x100000, s0;
	[bflag:$0x2] =	sbarrier.arrive $0xFFFF  }
0x44: {  	[sflag:s0] =	ssyncadd.tile.s32 @!p0 $0x1;
	_ =	shalt  }
.Lfunc_end2:
_tile_overlayer_lowered:
.L_overlay_start_2:
0x45: {  	(tag) =	ssettag $0x2  }
0x46: {  	s0 =	rddreg [dreg:$0x0];
	s2 =	stileid.u32  }
0x47: {  	s1 =	rddreg [dreg:$0x1];
	p0 =	sne.s32 s2, $0x0  }
0x48: {  	s3 =	rddreg [dreg:$0x2];
	[bflag:$0x3] =	sbarrier.arrive $0xFFFF;
	s2 =	simm.s32 @!p0 $0x1C01  }
0x49: {  	[timem:s3], [sflag:s2] =	dma.local @!p0 [hbm:s0], s1  }
0x4a: {  	s0 =	simm.s32 @!p0 $0x1  }
0x4b: {  	_ =	swait.ge @!p0 [sflag:s0], s1  }
0x4c: {  	s1 =	ssub.s32 @!p0 $0x0, s1;
	[sflag:s0] =	ssyncset.done @!p0 $0x0  }
0x4d: {  	[sflag:s0] =	ssyncadd.s32 @!p0 s1  }
0x4e: {  	[bflag:$0x3] =	sbarrier.arrive $0xFFFF  }
0x4f: {  	_ =	shalt  }

</sc_bundles>
